<compile_context>
chip_gen: v7x
topology: tpu7x:2x2x1
jax: 0.10.2.dev20260603
libtpu: 0.0.44.dev20260713+nightly
codegen_flags: <defaults>
</compile_context>

<pallas_src>
import functools

import jax
import jax.numpy as jnp
from jax import lax
from jax.experimental import pallas as pl
from jax.experimental.pallas import tpu as pltpu
from jax.experimental.pallas import tpu_sc as plsc

_LANES = 16
_CHUNK = 8192
_UNROLL = 8
_TCBLK = 2048


def _make_sc_gather(F, B, V):
    mesh = plsc.VectorSubcoreMesh(core_axis_name="c", subcore_axis_name="s")
    fields_per_core = F // 2
    n_chunks = B // _CHUNK

    @functools.partial(
        pl.kernel,
        out_type=jax.ShapeDtypeStruct((F, B), jnp.float32),
        mesh=mesh,
        compiler_params=pltpu.CompilerParams(needs_layout_passes=False),
        scratch_types=[
            pltpu.VMEM((V,), jnp.float32),
            pltpu.VMEM((_CHUNK,), jnp.int32),
            pltpu.VMEM((_CHUNK,), jnp.float32),
        ],
    )
    def sc_gather(tables_hbm, idx_hbm, out_hbm, tbl_v, idx_v, g_v):
        c = lax.axis_index("c")
        s = lax.axis_index("s")

        @pl.when(s < fields_per_core)
        def _():
            field = c * fields_per_core + s
            pltpu.sync_copy(tables_hbm.at[field], tbl_v)
            for ci in range(n_chunks):
                pltpu.sync_copy(idx_hbm.at[field, pl.ds(ci * _CHUNK, _CHUNK)],
                                idx_v)

                def body(j, carry):
                    base = j * (_LANES * _UNROLL)
                    for u in range(_UNROLL):
                        iv = idx_v[pl.ds(base + u * _LANES, _LANES)]
                        g_v[pl.ds(base + u * _LANES, _LANES)] = (
                            plsc.load_gather(tbl_v, [iv]))
                    return carry

                lax.fori_loop(0, _CHUNK // (_LANES * _UNROLL), body, 0)
                pltpu.sync_copy(g_v, out_hbm.at[field, pl.ds(ci * _CHUNK,
                                                             _CHUNK)])

    return sc_gather


def _tc_finish(partials, dense_t, w2d, bias2d):
    F, B = partials.shape
    D = dense_t.shape[0]

    def body(p_ref, d_ref, w_ref, b_ref, o_ref):
        sc_sum = jnp.sum(p_ref[...], axis=0, keepdims=True)
        dm = jnp.sum(d_ref[...] * w_ref[...], axis=0, keepdims=True)
        o_ref[...] = jax.nn.sigmoid(sc_sum + dm + b_ref[...])

    grid = (B // _TCBLK,)
    return pl.pallas_call(
        body,
        grid=grid,
        in_specs=[
            pl.BlockSpec((F, _TCBLK), lambda j: (0, j)),
            pl.BlockSpec((D, _TCBLK), lambda j: (0, j)),
            pl.BlockSpec((D, 1), lambda j: (0, 0)),
            pl.BlockSpec((1, 1), lambda j: (0, 0)),
        ],
        out_specs=pl.BlockSpec((1, _TCBLK), lambda j: (0, j)),
        out_shape=jax.ShapeDtypeStruct((1, B), jnp.float32),
    )(partials, dense_t, w2d, bias2d)


def kernel(sparse_idx, dense, tables, w_dense, bias):
    B, F = sparse_idx.shape
    V = tables.shape[1]
    idx_t = sparse_idx.T.astype(jnp.int32)
    dense_t = dense.T
    partials = _make_sc_gather(F, B, V)(tables, idx_t)
    out2d = _tc_finish(partials, dense_t, w_dense.reshape(-1, 1),
                       bias.reshape(1, 1))
    return out2d.reshape(B)

# --- scband reference (transcript-rebuilt; emitter-appended) ---
"""Pipeline reference for scband-ftrlmodel-84705345012147 (READ-ONLY COPY).

The authoritative reference and input builder live on the scoring server;
editing this copy changes nothing except your own understanding.
"""

import jax, jax.numpy as jnp
import numpy as np

B = 16384
F = 26
V = 100000
D = 13

def setup_inputs(seed: int = 0) -> dict:
    key = jax.random.key(seed)
    k1, k2, k3, k4 = jax.random.split(key, 4)
    sparse_idx = jax.random.randint(k1, (B, F), 0, V)
    dense = jax.random.normal(k2, (B, D), dtype=jnp.float32)
    # 26 embedding tables with embedding_dim=1, stacked as [F, V]
    tables = jax.random.normal(k3, (F, V), dtype=jnp.float32) * 0.01
    w_dense = jax.random.normal(k4, (D,), dtype=jnp.float32) * 0.01
    bias = jnp.zeros((1,), dtype=jnp.float32)
    return {"sparse_idx": sparse_idx, "dense": dense, "tables": tables, "w_dense": w_dense, "bias": bias}

def reference(sparse_idx, dense, tables, w_dense, bias):
    batch = sparse_idx.shape[0]
    out = jnp.broadcast_to(bias, (batch,))
    # dense linear layer (no bias)
    out = out + dense @ w_dense
    # per-field embedding lookups (embedding_dim = 1), summed
    gathered = jnp.take_along_axis(tables, sparse_idx.T, axis=1)  # [F, B]
    out = out + gathered.sum(axis=0)
    return jax.nn.sigmoid(out)

if __name__ == "__main__":
    import jax
    _d = setup_inputs()
    print(jax.jit(kernel)(*tuple(_d.values())))

</pallas_src>

<mosaic_0001>
#map = affine_map<(d0, d1) -> (0, 0)>
module attributes {stable_mosaic.version = 14 : i64} {
  func.func @sc_gather(%arg0: i32, %arg1: i32, %arg2: memref<26x100000xf32, #tpu.memory_space<hbm>>, %arg3: memref<26x16384xi32, #tpu.memory_space<hbm>>, %arg4: memref<26x16384xf32, #tpu.memory_space<hbm>>, %arg5: memref<100000xf32, #tpu.memory_space<vmem>>, %arg6: memref<8192xi32, #tpu.memory_space<vmem>>, %arg7: memref<8192xf32, #tpu.memory_space<vmem>>) attributes {dimension_semantics = [#tpu.dimension_semantics<core_parallel>, #tpu.dimension_semantics<subcore_parallel>], iteration_bounds = array<i64: 2, 16>, scalar_prefetch = 0 : i64, scratch_operands = 3 : i64, tpu.core_type = #tpu.core_type<sc_vector_subcore>, window_params = [{transform_indices = #map}, {transform_indices = #map}, {transform_indices = #map}]} {
    %lt3A = arith.constant 13 : i32
    %lt3A_0 = arith.cmpi slt, %arg1, %lt3A : i32
    %convert_element_type3A = arith.extui %lt3A_0 : i1 to i32
    %cond3A = arith.constant 0 : i32
    %cond3A_1 = arith.cmpi ne, %convert_element_type3A, %cond3A : i32
    scf.if %cond3A_1 {
      %mul3A = arith.constant 13 : i32
      %mul3A_2 = arith.muli %arg0, %mul3A : i32
      %add3A = arith.addi %mul3A_2, %arg1 : i32
      "tpu.region"() ({
        %run_scoped3A = tpu.sem_alloc : memref<!tpu.dma_semaphore, #tpu.memory_space<semaphore_mem>>
        %dma_start3A = arith.constant 0 : i32
        %dma_start3A_14 = tpu.memref_slice %arg2[%add3A, %dma_start3A] : memref<26x100000xf32, #tpu.memory_space<hbm>> -> memref<1x100000xf32, #tpu.memory_space<hbm>>
        %dma_start3A_15 = tpu.memref_squeeze %dma_start3A_14 : memref<1x100000xf32, #tpu.memory_space<hbm>> -> memref<100000xf32, #tpu.memory_space<hbm>>
        %dma_start3A_16 = arith.constant 0 : i32
        %dma_start3A_17 = tpu.memref_slice %arg2[%add3A, %dma_start3A_16] : memref<26x100000xf32, #tpu.memory_space<hbm>> -> memref<1x100000xf32, #tpu.memory_space<hbm>>
        %dma_start3A_18 = tpu.memref_squeeze %dma_start3A_17 : memref<1x100000xf32, #tpu.memory_space<hbm>> -> memref<100000xf32, #tpu.memory_space<hbm>>
        tpu.enqueue_dma source(%dma_start3A_18 : memref<100000xf32, #tpu.memory_space<hbm>>) target(%arg5 : memref<100000xf32, #tpu.memory_space<vmem>>) target_semaphore(%run_scoped3A : memref<!tpu.dma_semaphore, #tpu.memory_space<semaphore_mem>>)
        %dma_wait3A = arith.constant 0 : i32
        %dma_wait3A_19 = tpu.memref_slice %arg2[%add3A, %dma_wait3A] : memref<26x100000xf32, #tpu.memory_space<hbm>> -> memref<1x100000xf32, #tpu.memory_space<hbm>>
        %dma_wait3A_20 = tpu.memref_squeeze %dma_wait3A_19 : memref<1x100000xf32, #tpu.memory_space<hbm>> -> memref<100000xf32, #tpu.memory_space<hbm>>
        %dma_wait3A_21 = arith.constant 0 : i32
        %dma_wait3A_22 = tpu.memref_slice %arg2[%add3A, %dma_wait3A_21] : memref<26x100000xf32, #tpu.memory_space<hbm>> -> memref<1x100000xf32, #tpu.memory_space<hbm>>
        %dma_wait3A_23 = tpu.memref_squeeze %dma_wait3A_22 : memref<1x100000xf32, #tpu.memory_space<hbm>> -> memref<100000xf32, #tpu.memory_space<hbm>>
        tpu.wait_dma2 semaphore(%run_scoped3A : memref<!tpu.dma_semaphore, #tpu.memory_space<semaphore_mem>>) src(%dma_wait3A_23 : memref<100000xf32, #tpu.memory_space<hbm>>) dst(%arg5 : memref<100000xf32, #tpu.memory_space<vmem>>)
        tpu.yield
      }) : () -> ()
      "tpu.region"() ({
        %run_scoped3A = tpu.sem_alloc : memref<!tpu.dma_semaphore, #tpu.memory_space<semaphore_mem>>
        %dma_start3A = arith.constant 0 : i32
        %dma_start3A_14 = tpu.memref_slice %arg3[%add3A, %dma_start3A] : memref<26x16384xi32, #tpu.memory_space<hbm>> -> memref<1x8192xi32, #tpu.memory_space<hbm>>
        %dma_start3A_15 = tpu.memref_squeeze %dma_start3A_14 : memref<1x8192xi32, #tpu.memory_space<hbm>> -> memref<8192xi32, #tpu.memory_space<hbm>>
        %dma_start3A_16 = arith.constant 0 : i32
        %dma_start3A_17 = tpu.memref_slice %arg3[%add3A, %dma_start3A_16] : memref<26x16384xi32, #tpu.memory_space<hbm>> -> memref<1x8192xi32, #tpu.memory_space<hbm>>
        %dma_start3A_18 = tpu.memref_squeeze %dma_start3A_17 : memref<1x8192xi32, #tpu.memory_space<hbm>> -> memref<8192xi32, #tpu.memory_space<hbm>>
        tpu.enqueue_dma source(%dma_start3A_18 : memref<8192xi32, #tpu.memory_space<hbm>>) target(%arg6 : memref<8192xi32, #tpu.memory_space<vmem>>) target_semaphore(%run_scoped3A : memref<!tpu.dma_semaphore, #tpu.memory_space<semaphore_mem>>)
        %dma_wait3A = arith.constant 0 : i32
        %dma_wait3A_19 = tpu.memref_slice %arg3[%add3A, %dma_wait3A] : memref<26x16384xi32, #tpu.memory_space<hbm>> -> memref<1x8192xi32, #tpu.memory_space<hbm>>
        %dma_wait3A_20 = tpu.memref_squeeze %dma_wait3A_19 : memref<1x8192xi32, #tpu.memory_space<hbm>> -> memref<8192xi32, #tpu.memory_space<hbm>>
        %dma_wait3A_21 = arith.constant 0 : i32
        %dma_wait3A_22 = tpu.memref_slice %arg3[%add3A, %dma_wait3A_21] : memref<26x16384xi32, #tpu.memory_space<hbm>> -> memref<1x8192xi32, #tpu.memory_space<hbm>>
        %dma_wait3A_23 = tpu.memref_squeeze %dma_wait3A_22 : memref<1x8192xi32, #tpu.memory_space<hbm>> -> memref<8192xi32, #tpu.memory_space<hbm>>
        tpu.wait_dma2 semaphore(%run_scoped3A : memref<!tpu.dma_semaphore, #tpu.memory_space<semaphore_mem>>) src(%dma_wait3A_23 : memref<8192xi32, #tpu.memory_space<hbm>>) dst(%arg6 : memref<8192xi32, #tpu.memory_space<vmem>>)
        tpu.yield
      }) : () -> ()
      %scan3A = arith.constant 0 : i32
      %scan3A_3 = arith.constant 0 : i32
      %scan3A_4 = arith.constant 64 : i32
      %scan3A_5 = arith.addi %scan3A_3, %scan3A_4 : i32
      %scan3A_6 = arith.constant 1 : i32
      scf.for %scan3A_14 = %scan3A_3 to %scan3A_5 step %scan3A_6  : i32 {
        %mul3A_15 = arith.constant 128 : i32
        %mul3A_16 = arith.muli %scan3A_14, %mul3A_15 : i32
        %add3A_17 = arith.constant 0 : i32
        %add3A_18 = arith.addi %mul3A_16, %add3A_17 : i32
        %get3A = arith.index_cast %add3A_18 : i32 to index
        %get3A_19 = tpu.vector_load %arg6[%get3A] {strides = array<i32>} : memref<8192xi32, #tpu.memory_space<vmem>>, vector<16xi32>,
        %gather3A = tpu.vector_load_idx %arg5[%get3A_19] : memref<100000xf32, #tpu.memory_space<vmem>>[vector<16xi32>], vector<16xf32>,
        %add3A_20 = arith.constant 0 : i32
        %add3A_21 = arith.addi %mul3A_16, %add3A_20 : i32
        %swap3A = arith.index_cast %add3A_21 : i32 to index
        %swap3A_22 = tpu.vector_load %arg7[%swap3A] {strides = array<i32>} : memref<8192xf32, #tpu.memory_space<vmem>>, vector<16xf32>,
        tpu.vector_store %arg7[%swap3A], %gather3A {strides = array<i32>} : memref<8192xf32, #tpu.memory_space<vmem>>, vector<16xf32>,
        %add3A_23 = arith.constant 16 : i32
        %add3A_24 = arith.addi %mul3A_16, %add3A_23 : i32
        %get3A_25 = arith.index_cast %add3A_24 : i32 to index
        %get3A_26 = tpu.vector_load %arg6[%get3A_25] {strides = array<i32>} : memref<8192xi32, #tpu.memory_space<vmem>>, vector<16xi32>,
        %gather3A_27 = tpu.vector_load_idx %arg5[%get3A_26] : memref<100000xf32, #tpu.memory_space<vmem>>[vector<16xi32>], vector<16xf32>,
        %add3A_28 = arith.constant 16 : i32
        %add3A_29 = arith.addi %mul3A_16, %add3A_28 : i32
        %swap3A_30 = arith.index_cast %add3A_29 : i32 to index
        %swap3A_31 = tpu.vector_load %arg7[%swap3A_30] {strides = array<i32>} : memref<8192xf32, #tpu.memory_space<vmem>>, vector<16xf32>,
        tpu.vector_store %arg7[%swap3A_30], %gather3A_27 {strides = array<i32>} : memref<8192xf32, #tpu.memory_space<vmem>>, vector<16xf32>,
        %add3A_32 = arith.constant 32 : i32
        %add3A_33 = arith.addi %mul3A_16, %add3A_32 : i32
        %get3A_34 = arith.index_cast %add3A_33 : i32 to index
        %get3A_35 = tpu.vector_load %arg6[%get3A_34] {strides = array<i32>} : memref<8192xi32, #tpu.memory_space<vmem>>, vector<16xi32>,
        %gather3A_36 = tpu.vector_load_idx %arg5[%get3A_35] : memref<100000xf32, #tpu.memory_space<vmem>>[vector<16xi32>], vector<16xf32>,
        %add3A_37 = arith.constant 32 : i32
        %add3A_38 = arith.addi %mul3A_16, %add3A_37 : i32
        %swap3A_39 = arith.index_cast %add3A_38 : i32 to index
        %swap3A_40 = tpu.vector_load %arg7[%swap3A_39] {strides = array<i32>} : memref<8192xf32, #tpu.memory_space<vmem>>, vector<16xf32>,
        tpu.vector_store %arg7[%swap3A_39], %gather3A_36 {strides = array<i32>} : memref<8192xf32, #tpu.memory_space<vmem>>, vector<16xf32>,
        %add3A_41 = arith.constant 48 : i32
        %add3A_42 = arith.addi %mul3A_16, %add3A_41 : i32
        %get3A_43 = arith.index_cast %add3A_42 : i32 to index
        %get3A_44 = tpu.vector_load %arg6[%get3A_43] {strides = array<i32>} : memref<8192xi32, #tpu.memory_space<vmem>>, vector<16xi32>,
        %gather3A_45 = tpu.vector_load_idx %arg5[%get3A_44] : memref<100000xf32, #tpu.memory_space<vmem>>[vector<16xi32>], vector<16xf32>,
        %add3A_46 = arith.constant 48 : i32
        %add3A_47 = arith.addi %mul3A_16, %add3A_46 : i32
        %swap3A_48 = arith.index_cast %add3A_47 : i32 to index
        %swap3A_49 = tpu.vector_load %arg7[%swap3A_48] {strides = array<i32>} : memref<8192xf32, #tpu.memory_space<vmem>>, vector<16xf32>,
        tpu.vector_store %arg7[%swap3A_48], %gather3A_45 {strides = array<i32>} : memref<8192xf32, #tpu.memory_space<vmem>>, vector<16xf32>,
        %add3A_50 = arith.constant 64 : i32
        %add3A_51 = arith.addi %mul3A_16, %add3A_50 : i32
        %get3A_52 = arith.index_cast %add3A_51 : i32 to index
        %get3A_53 = tpu.vector_load %arg6[%get3A_52] {strides = array<i32>} : memref<8192xi32, #tpu.memory_space<vmem>>, vector<16xi32>,
        %gather3A_54 = tpu.vector_load_idx %arg5[%get3A_53] : memref<100000xf32, #tpu.memory_space<vmem>>[vector<16xi32>], vector<16xf32>,
        %add3A_55 = arith.constant 64 : i32
        %add3A_56 = arith.addi %mul3A_16, %add3A_55 : i32
        %swap3A_57 = arith.index_cast %add3A_56 : i32 to index
        %swap3A_58 = tpu.vector_load %arg7[%swap3A_57] {strides = array<i32>} : memref<8192xf32, #tpu.memory_space<vmem>>, vector<16xf32>,
        tpu.vector_store %arg7[%swap3A_57], %gather3A_54 {strides = array<i32>} : memref<8192xf32, #tpu.memory_space<vmem>>, vector<16xf32>,
        %add3A_59 = arith.constant 80 : i32
        %add3A_60 = arith.addi %mul3A_16, %add3A_59 : i32
        %get3A_61 = arith.index_cast %add3A_60 : i32 to index
        %get3A_62 = tpu.vector_load %arg6[%get3A_61] {strides = array<i32>} : memref<8192xi32, #tpu.memory_space<vmem>>, vector<16xi32>,
        %gather3A_63 = tpu.vector_load_idx %arg5[%get3A_62] : memref<100000xf32, #tpu.memory_space<vmem>>[vector<16xi32>], vector<16xf32>,
        %add3A_64 = arith.constant 80 : i32
        %add3A_65 = arith.addi %mul3A_16, %add3A_64 : i32
        %swap3A_66 = arith.index_cast %add3A_65 : i32 to index
        %swap3A_67 = tpu.vector_load %arg7[%swap3A_66] {strides = array<i32>} : memref<8192xf32, #tpu.memory_space<vmem>>, vector<16xf32>,
        tpu.vector_store %arg7[%swap3A_66], %gather3A_63 {strides = array<i32>} : memref<8192xf32, #tpu.memory_space<vmem>>, vector<16xf32>,
        %add3A_68 = arith.constant 96 : i32
        %add3A_69 = arith.addi %mul3A_16, %add3A_68 : i32
        %get3A_70 = arith.index_cast %add3A_69 : i32 to index
        %get3A_71 = tpu.vector_load %arg6[%get3A_70] {strides = array<i32>} : memref<8192xi32, #tpu.memory_space<vmem>>, vector<16xi32>,
        %gather3A_72 = tpu.vector_load_idx %arg5[%get3A_71] : memref<100000xf32, #tpu.memory_space<vmem>>[vector<16xi32>], vector<16xf32>,
        %add3A_73 = arith.constant 96 : i32
        %add3A_74 = arith.addi %mul3A_16, %add3A_73 : i32
        %swap3A_75 = arith.index_cast %add3A_74 : i32 to index
        %swap3A_76 = tpu.vector_load %arg7[%swap3A_75] {strides = array<i32>} : memref<8192xf32, #tpu.memory_space<vmem>>, vector<16xf32>,
        tpu.vector_store %arg7[%swap3A_75], %gather3A_72 {strides = array<i32>} : memref<8192xf32, #tpu.memory_space<vmem>>, vector<16xf32>,
        %add3A_77 = arith.constant 112 : i32
        %add3A_78 = arith.addi %mul3A_16, %add3A_77 : i32
        %get3A_79 = arith.index_cast %add3A_78 : i32 to index
        %get3A_80 = tpu.vector_load %arg6[%get3A_79] {strides = array<i32>} : memref<8192xi32, #tpu.memory_space<vmem>>, vector<16xi32>,
        %gather3A_81 = tpu.vector_load_idx %arg5[%get3A_80] : memref<100000xf32, #tpu.memory_space<vmem>>[vector<16xi32>], vector<16xf32>,
        %add3A_82 = arith.constant 112 : i32
        %add3A_83 = arith.addi %mul3A_16, %add3A_82 : i32
        %swap3A_84 = arith.index_cast %add3A_83 : i32 to index
        %swap3A_85 = tpu.vector_load %arg7[%swap3A_84] {strides = array<i32>} : memref<8192xf32, #tpu.memory_space<vmem>>, vector<16xf32>,
        tpu.vector_store %arg7[%swap3A_84], %gather3A_81 {strides = array<i32>} : memref<8192xf32, #tpu.memory_space<vmem>>, vector<16xf32>,
      }
      %scan3A_7 = arith.constant 64 : i32
      "tpu.region"() ({
        %run_scoped3A = tpu.sem_alloc : memref<!tpu.dma_semaphore, #tpu.memory_space<semaphore_mem>>
        %dma_start3A = arith.constant 0 : i32
        %dma_start3A_14 = tpu.memref_slice %arg4[%add3A, %dma_start3A] : memref<26x16384xf32, #tpu.memory_space<hbm>> -> memref<1x8192xf32, #tpu.memory_space<hbm>>
        %dma_start3A_15 = tpu.memref_squeeze %dma_start3A_14 : memref<1x8192xf32, #tpu.memory_space<hbm>> -> memref<8192xf32, #tpu.memory_space<hbm>>
        %dma_start3A_16 = arith.constant 0 : i32
        %dma_start3A_17 = tpu.memref_slice %arg4[%add3A, %dma_start3A_16] : memref<26x16384xf32, #tpu.memory_space<hbm>> -> memref<1x8192xf32, #tpu.memory_space<hbm>>
        %dma_start3A_18 = tpu.memref_squeeze %dma_start3A_17 : memref<1x8192xf32, #tpu.memory_space<hbm>> -> memref<8192xf32, #tpu.memory_space<hbm>>
        tpu.enqueue_dma source(%arg7 : memref<8192xf32, #tpu.memory_space<vmem>>) target(%dma_start3A_18 : memref<8192xf32, #tpu.memory_space<hbm>>) target_semaphore(%run_scoped3A : memref<!tpu.dma_semaphore, #tpu.memory_space<semaphore_mem>>)
        %dma_wait3A = arith.constant 0 : i32
        %dma_wait3A_19 = tpu.memref_slice %arg4[%add3A, %dma_wait3A] : memref<26x16384xf32, #tpu.memory_space<hbm>> -> memref<1x8192xf32, #tpu.memory_space<hbm>>
        %dma_wait3A_20 = tpu.memref_squeeze %dma_wait3A_19 : memref<1x8192xf32, #tpu.memory_space<hbm>> -> memref<8192xf32, #tpu.memory_space<hbm>>
        %dma_wait3A_21 = arith.constant 0 : i32
        %dma_wait3A_22 = tpu.memref_slice %arg4[%add3A, %dma_wait3A_21] : memref<26x16384xf32, #tpu.memory_space<hbm>> -> memref<1x8192xf32, #tpu.memory_space<hbm>>
        %dma_wait3A_23 = tpu.memref_squeeze %dma_wait3A_22 : memref<1x8192xf32, #tpu.memory_space<hbm>> -> memref<8192xf32, #tpu.memory_space<hbm>>
        tpu.wait_dma2 semaphore(%run_scoped3A : memref<!tpu.dma_semaphore, #tpu.memory_space<semaphore_mem>>) src(%arg7 : memref<8192xf32, #tpu.memory_space<vmem>>) dst(%dma_wait3A_23 : memref<8192xf32, #tpu.memory_space<hbm>>)
        tpu.yield
      }) : () -> ()
      "tpu.region"() ({
        %run_scoped3A = tpu.sem_alloc : memref<!tpu.dma_semaphore, #tpu.memory_space<semaphore_mem>>
        %dma_start3A = arith.constant 8192 : i32
        %dma_start3A_14 = tpu.memref_slice %arg3[%add3A, %dma_start3A] : memref<26x16384xi32, #tpu.memory_space<hbm>> -> memref<1x8192xi32, #tpu.memory_space<hbm>>
        %dma_start3A_15 = tpu.memref_squeeze %dma_start3A_14 : memref<1x8192xi32, #tpu.memory_space<hbm>> -> memref<8192xi32, #tpu.memory_space<hbm>>
        %dma_start3A_16 = arith.constant 8192 : i32
        %dma_start3A_17 = tpu.memref_slice %arg3[%add3A, %dma_start3A_16] : memref<26x16384xi32, #tpu.memory_space<hbm>> -> memref<1x8192xi32, #tpu.memory_space<hbm>>
        %dma_start3A_18 = tpu.memref_squeeze %dma_start3A_17 : memref<1x8192xi32, #tpu.memory_space<hbm>> -> memref<8192xi32, #tpu.memory_space<hbm>>
        tpu.enqueue_dma source(%dma_start3A_18 : memref<8192xi32, #tpu.memory_space<hbm>>) target(%arg6 : memref<8192xi32, #tpu.memory_space<vmem>>) target_semaphore(%run_scoped3A : memref<!tpu.dma_semaphore, #tpu.memory_space<semaphore_mem>>)
        %dma_wait3A = arith.constant 8192 : i32
        %dma_wait3A_19 = tpu.memref_slice %arg3[%add3A, %dma_wait3A] : memref<26x16384xi32, #tpu.memory_space<hbm>> -> memref<1x8192xi32, #tpu.memory_space<hbm>>
        %dma_wait3A_20 = tpu.memref_squeeze %dma_wait3A_19 : memref<1x8192xi32, #tpu.memory_space<hbm>> -> memref<8192xi32, #tpu.memory_space<hbm>>
        %dma_wait3A_21 = arith.constant 8192 : i32
        %dma_wait3A_22 = tpu.memref_slice %arg3[%add3A, %dma_wait3A_21] : memref<26x16384xi32, #tpu.memory_space<hbm>> -> memref<1x8192xi32, #tpu.memory_space<hbm>>
        %dma_wait3A_23 = tpu.memref_squeeze %dma_wait3A_22 : memref<1x8192xi32, #tpu.memory_space<hbm>> -> memref<8192xi32, #tpu.memory_space<hbm>>
        tpu.wait_dma2 semaphore(%run_scoped3A : memref<!tpu.dma_semaphore, #tpu.memory_space<semaphore_mem>>) src(%dma_wait3A_23 : memref<8192xi32, #tpu.memory_space<hbm>>) dst(%arg6 : memref<8192xi32, #tpu.memory_space<vmem>>)
        tpu.yield
      }) : () -> ()
      %scan3A_8 = arith.constant 0 : i32
      %scan3A_9 = arith.constant 0 : i32
      %scan3A_10 = arith.constant 64 : i32
      %scan3A_11 = arith.addi %scan3A_9, %scan3A_10 : i32
      %scan3A_12 = arith.constant 1 : i32
      scf.for %scan3A_14 = %scan3A_9 to %scan3A_11 step %scan3A_12  : i32 {
        %mul3A_15 = arith.constant 128 : i32
        %mul3A_16 = arith.muli %scan3A_14, %mul3A_15 : i32
        %add3A_17 = arith.constant 0 : i32
        %add3A_18 = arith.addi %mul3A_16, %add3A_17 : i32
        %get3A = arith.index_cast %add3A_18 : i32 to index
        %get3A_19 = tpu.vector_load %arg6[%get3A] {strides = array<i32>} : memref<8192xi32, #tpu.memory_space<vmem>>, vector<16xi32>,
        %gather3A = tpu.vector_load_idx %arg5[%get3A_19] : memref<100000xf32, #tpu.memory_space<vmem>>[vector<16xi32>], vector<16xf32>,
        %add3A_20 = arith.constant 0 : i32
        %add3A_21 = arith.addi %mul3A_16, %add3A_20 : i32
        %swap3A = arith.index_cast %add3A_21 : i32 to index
        %swap3A_22 = tpu.vector_load %arg7[%swap3A] {strides = array<i32>} : memref<8192xf32, #tpu.memory_space<vmem>>, vector<16xf32>,
        tpu.vector_store %arg7[%swap3A], %gather3A {strides = array<i32>} : memref<8192xf32, #tpu.memory_space<vmem>>, vector<16xf32>,
        %add3A_23 = arith.constant 16 : i32
        %add3A_24 = arith.addi %mul3A_16, %add3A_23 : i32
        %get3A_25 = arith.index_cast %add3A_24 : i32 to index
        %get3A_26 = tpu.vector_load %arg6[%get3A_25] {strides = array<i32>} : memref<8192xi32, #tpu.memory_space<vmem>>, vector<16xi32>,
        %gather3A_27 = tpu.vector_load_idx %arg5[%get3A_26] : memref<100000xf32, #tpu.memory_space<vmem>>[vector<16xi32>], vector<16xf32>,
        %add3A_28 = arith.constant 16 : i32
        %add3A_29 = arith.addi %mul3A_16, %add3A_28 : i32
        %swap3A_30 = arith.index_cast %add3A_29 : i32 to index
        %swap3A_31 = tpu.vector_load %arg7[%swap3A_30] {strides = array<i32>} : memref<8192xf32, #tpu.memory_space<vmem>>, vector<16xf32>,
        tpu.vector_store %arg7[%swap3A_30], %gather3A_27 {strides = array<i32>} : memref<8192xf32, #tpu.memory_space<vmem>>, vector<16xf32>,
        %add3A_32 = arith.constant 32 : i32
        %add3A_33 = arith.addi %mul3A_16, %add3A_32 : i32
        %get3A_34 = arith.index_cast %add3A_33 : i32 to index
        %get3A_35 = tpu.vector_load %arg6[%get3A_34] {strides = array<i32>} : memref<8192xi32, #tpu.memory_space<vmem>>, vector<16xi32>,
        %gather3A_36 = tpu.vector_load_idx %arg5[%get3A_35] : memref<100000xf32, #tpu.memory_space<vmem>>[vector<16xi32>], vector<16xf32>,
        %add3A_37 = arith.constant 32 : i32
        %add3A_38 = arith.addi %mul3A_16, %add3A_37 : i32
        %swap3A_39 = arith.index_cast %add3A_38 : i32 to index
        %swap3A_40 = tpu.vector_load %arg7[%swap3A_39] {strides = array<i32>} : memref<8192xf32, #tpu.memory_space<vmem>>, vector<16xf32>,
        tpu.vector_store %arg7[%swap3A_39], %gather3A_36 {strides = array<i32>} : memref<8192xf32, #tpu.memory_space<vmem>>, vector<16xf32>,
        %add3A_41 = arith.constant 48 : i32
        %add3A_42 = arith.addi %mul3A_16, %add3A_41 : i32
        %get3A_43 = arith.index_cast %add3A_42 : i32 to index
        %get3A_44 = tpu.vector_load %arg6[%get3A_43] {strides = array<i32>} : memref<8192xi32, #tpu.memory_space<vmem>>, vector<16xi32>,
        %gather3A_45 = tpu.vector_load_idx %arg5[%get3A_44] : memref<100000xf32, #tpu.memory_space<vmem>>[vector<16xi32>], vector<16xf32>,
        %add3A_46 = arith.constant 48 : i32
        %add3A_47 = arith.addi %mul3A_16, %add3A_46 : i32
        %swap3A_48 = arith.index_cast %add3A_47 : i32 to index
        %swap3A_49 = tpu.vector_load %arg7[%swap3A_48] {strides = array<i32>} : memref<8192xf32, #tpu.memory_space<vmem>>, vector<16xf32>,
        tpu.vector_store %arg7[%swap3A_48], %gather3A_45 {strides = array<i32>} : memref<8192xf32, #tpu.memory_space<vmem>>, vector<16xf32>,
        %add3A_50 = arith.constant 64 : i32
        %add3A_51 = arith.addi %mul3A_16, %add3A_50 : i32
        %get3A_52 = arith.index_cast %add3A_51 : i32 to index
        %get3A_53 = tpu.vector_load %arg6[%get3A_52] {strides = array<i32>} : memref<8192xi32, #tpu.memory_space<vmem>>, vector<16xi32>,
        %gather3A_54 = tpu.vector_load_idx %arg5[%get3A_53] : memref<100000xf32, #tpu.memory_space<vmem>>[vector<16xi32>], vector<16xf32>,
        %add3A_55 = arith.constant 64 : i32
        %add3A_56 = arith.addi %mul3A_16, %add3A_55 : i32
        %swap3A_57 = arith.index_cast %add3A_56 : i32 to index
        %swap3A_58 = tpu.vector_load %arg7[%swap3A_57] {strides = array<i32>} : memref<8192xf32, #tpu.memory_space<vmem>>, vector<16xf32>,
        tpu.vector_store %arg7[%swap3A_57], %gather3A_54 {strides = array<i32>} : memref<8192xf32, #tpu.memory_space<vmem>>, vector<16xf32>,
        %add3A_59 = arith.constant 80 : i32
        %add3A_60 = arith.addi %mul3A_16, %add3A_59 : i32
        %get3A_61 = arith.index_cast %add3A_60 : i32 to index
        %get3A_62 = tpu.vector_load %arg6[%get3A_61] {strides = array<i32>} : memref<8192xi32, #tpu.memory_space<vmem>>, vector<16xi32>,
        %gather3A_63 = tpu.vector_load_idx %arg5[%get3A_62] : memref<100000xf32, #tpu.memory_space<vmem>>[vector<16xi32>], vector<16xf32>,
        %add3A_64 = arith.constant 80 : i32
        %add3A_65 = arith.addi %mul3A_16, %add3A_64 : i32
        %swap3A_66 = arith.index_cast %add3A_65 : i32 to index
        %swap3A_67 = tpu.vector_load %arg7[%swap3A_66] {strides = array<i32>} : memref<8192xf32, #tpu.memory_space<vmem>>, vector<16xf32>,
        tpu.vector_store %arg7[%swap3A_66], %gather3A_63 {strides = array<i32>} : memref<8192xf32, #tpu.memory_space<vmem>>, vector<16xf32>,
        %add3A_68 = arith.constant 96 : i32
        %add3A_69 = arith.addi %mul3A_16, %add3A_68 : i32
        %get3A_70 = arith.index_cast %add3A_69 : i32 to index
        %get3A_71 = tpu.vector_load %arg6[%get3A_70] {strides = array<i32>} : memref<8192xi32, #tpu.memory_space<vmem>>, vector<16xi32>,
        %gather3A_72 = tpu.vector_load_idx %arg5[%get3A_71] : memref<100000xf32, #tpu.memory_space<vmem>>[vector<16xi32>], vector<16xf32>,
        %add3A_73 = arith.constant 96 : i32
        %add3A_74 = arith.addi %mul3A_16, %add3A_73 : i32
        %swap3A_75 = arith.index_cast %add3A_74 : i32 to index
        %swap3A_76 = tpu.vector_load %arg7[%swap3A_75] {strides = array<i32>} : memref<8192xf32, #tpu.memory_space<vmem>>, vector<16xf32>,
        tpu.vector_store %arg7[%swap3A_75], %gather3A_72 {strides = array<i32>} : memref<8192xf32, #tpu.memory_space<vmem>>, vector<16xf32>,
        %add3A_77 = arith.constant 112 : i32
        %add3A_78 = arith.addi %mul3A_16, %add3A_77 : i32
        %get3A_79 = arith.index_cast %add3A_78 : i32 to index
        %get3A_80 = tpu.vector_load %arg6[%get3A_79] {strides = array<i32>} : memref<8192xi32, #tpu.memory_space<vmem>>, vector<16xi32>,
        %gather3A_81 = tpu.vector_load_idx %arg5[%get3A_80] : memref<100000xf32, #tpu.memory_space<vmem>>[vector<16xi32>], vector<16xf32>,
        %add3A_82 = arith.constant 112 : i32
        %add3A_83 = arith.addi %mul3A_16, %add3A_82 : i32
        %swap3A_84 = arith.index_cast %add3A_83 : i32 to index
        %swap3A_85 = tpu.vector_load %arg7[%swap3A_84] {strides = array<i32>} : memref<8192xf32, #tpu.memory_space<vmem>>, vector<16xf32>,
        tpu.vector_store %arg7[%swap3A_84], %gather3A_81 {strides = array<i32>} : memref<8192xf32, #tpu.memory_space<vmem>>, vector<16xf32>,
      }
      %scan3A_13 = arith.constant 64 : i32
      "tpu.region"() ({
        %run_scoped3A = tpu.sem_alloc : memref<!tpu.dma_semaphore, #tpu.memory_space<semaphore_mem>>
        %dma_start3A = arith.constant 8192 : i32
        %dma_start3A_14 = tpu.memref_slice %arg4[%add3A, %dma_start3A] : memref<26x16384xf32, #tpu.memory_space<hbm>> -> memref<1x8192xf32, #tpu.memory_space<hbm>>
        %dma_start3A_15 = tpu.memref_squeeze %dma_start3A_14 : memref<1x8192xf32, #tpu.memory_space<hbm>> -> memref<8192xf32, #tpu.memory_space<hbm>>
        %dma_start3A_16 = arith.constant 8192 : i32
        %dma_start3A_17 = tpu.memref_slice %arg4[%add3A, %dma_start3A_16] : memref<26x16384xf32, #tpu.memory_space<hbm>> -> memref<1x8192xf32, #tpu.memory_space<hbm>>
        %dma_start3A_18 = tpu.memref_squeeze %dma_start3A_17 : memref<1x8192xf32, #tpu.memory_space<hbm>> -> memref<8192xf32, #tpu.memory_space<hbm>>
        tpu.enqueue_dma source(%arg7 : memref<8192xf32, #tpu.memory_space<vmem>>) target(%dma_start3A_18 : memref<8192xf32, #tpu.memory_space<hbm>>) target_semaphore(%run_scoped3A : memref<!tpu.dma_semaphore, #tpu.memory_space<semaphore_mem>>)
        %dma_wait3A = arith.constant 8192 : i32
        %dma_wait3A_19 = tpu.memref_slice %arg4[%add3A, %dma_wait3A] : memref<26x16384xf32, #tpu.memory_space<hbm>> -> memref<1x8192xf32, #tpu.memory_space<hbm>>
        %dma_wait3A_20 = tpu.memref_squeeze %dma_wait3A_19 : memref<1x8192xf32, #tpu.memory_space<hbm>> -> memref<8192xf32, #tpu.memory_space<hbm>>
        %dma_wait3A_21 = arith.constant 8192 : i32
        %dma_wait3A_22 = tpu.memref_slice %arg4[%add3A, %dma_wait3A_21] : memref<26x16384xf32, #tpu.memory_space<hbm>> -> memref<1x8192xf32, #tpu.memory_space<hbm>>
        %dma_wait3A_23 = tpu.memref_squeeze %dma_wait3A_22 : memref<1x8192xf32, #tpu.memory_space<hbm>> -> memref<8192xf32, #tpu.memory_space<hbm>>
        tpu.wait_dma2 semaphore(%run_scoped3A : memref<!tpu.dma_semaphore, #tpu.memory_space<semaphore_mem>>) src(%arg7 : memref<8192xf32, #tpu.memory_space<vmem>>) dst(%dma_wait3A_23 : memref<8192xf32, #tpu.memory_space<hbm>>)
        tpu.yield
      }) : () -> ()
    } else {
    }
    return
  }
}

module attributes {stable_mosaic.version = 14 : i64} {
  func.func @body(%arg0: i32, %arg1: memref<26x2048xf32, #tpu.memory_space<vmem>>, %arg2: memref<13x2048xf32, #tpu.memory_space<vmem>>, %arg3: memref<13x1xf32, #tpu.memory_space<vmem>>, %arg4: memref<1x1xf32, #tpu.memory_space<vmem>>, %arg5: memref<1x2048xf32, #tpu.memory_space<vmem>>) attributes {dimension_semantics = [#tpu.dimension_semantics<arbitrary>], iteration_bounds = array<i64: 8>, scalar_prefetch = 0 : i64, scratch_operands = 0 : i64, tpu.core_type = #tpu.core_type<tc>, window_params = [{transform_indices = @transform_0, window_bounds = array<i64: 26, 2048>}, {transform_indices = @transform_1, window_bounds = array<i64: 13, 2048>}, {pipeline_mode = #tpu.pipeline_mode<synchronous>, transform_indices = @transform_2, window_bounds = array<i64: 13, 1>}, {pipeline_mode = #tpu.pipeline_mode<synchronous>, transform_indices = @transform_3, window_bounds = array<i64: 1, 1>}, {transform_indices = @transform_4, window_bounds = array<i64: 1, 2048>}]} {
    %get3A = arith.constant 0 : index
    %get3A_0 = arith.constant 0 : index
    %get3A_1 = vector.load %arg1[%get3A, %get3A_0] : memref<26x2048xf32, #tpu.memory_space<vmem>>, vector<26x2048xf32>
    %reduce_sum3A = arith.constant dense<0.000000e+00> : vector<2048xf32>
    %reduce_sum3A_2 = vector.multi_reduction <add>, %get3A_1, %reduce_sum3A [0] : vector<26x2048xf32> to vector<2048xf32>
    %broadcast_in_dim3A = vector.shape_cast %reduce_sum3A_2 : vector<2048xf32> to vector<1x2048xf32>
    %get3A_3 = arith.constant 0 : index
    %get3A_4 = arith.constant 0 : index
    %get3A_5 = vector.load %arg2[%get3A_3, %get3A_4] : memref<13x2048xf32, #tpu.memory_space<vmem>>, vector<13x2048xf32>
    %get3A_6 = arith.constant 0 : index
    %get3A_7 = arith.constant 0 : index
    %get3A_8 = vector.load %arg3[%get3A_6, %get3A_7] : memref<13x1xf32, #tpu.memory_space<vmem>>, vector<13x1xf32>
    %mul3A = vector.broadcast %get3A_8 : vector<13x1xf32> to vector<13x2048xf32>
    %mul3A_9 = arith.mulf %get3A_5, %mul3A : vector<13x2048xf32>
    %reduce_sum3A_10 = arith.constant dense<0.000000e+00> : vector<2048xf32>
    %reduce_sum3A_11 = vector.multi_reduction <add>, %mul3A_9, %reduce_sum3A_10 [0] : vector<13x2048xf32> to vector<2048xf32>
    %broadcast_in_dim3A_12 = vector.shape_cast %reduce_sum3A_11 : vector<2048xf32> to vector<1x2048xf32>
    %add3A = arith.addf %broadcast_in_dim3A, %broadcast_in_dim3A_12 : vector<1x2048xf32>
    %get3A_13 = arith.constant 0 : index
    %get3A_14 = arith.constant 0 : index
    %get3A_15 = vector.load %arg4[%get3A_13, %get3A_14] : memref<1x1xf32, #tpu.memory_space<vmem>>, vector<1x1xf32>
    %add3A_16 = vector.broadcast %get3A_15 : vector<1x1xf32> to vector<1x2048xf32>
    %add3A_17 = arith.addf %add3A, %add3A_16 : vector<1x2048xf32>
    %logistic3A = arith.negf %add3A_17 : vector<1x2048xf32>
    %logistic3A_18 = math.exp %logistic3A : vector<1x2048xf32>
    %logistic3A_19 = arith.constant 1.000000e+00 : f32
    %logistic3A_20 = vector.broadcast %logistic3A_19 : f32 to vector<1x2048xf32>
    %logistic3A_21 = arith.addf %logistic3A_20, %logistic3A_18 : vector<1x2048xf32>
    %logistic3A_22 = arith.divf %logistic3A_20, %logistic3A_21 : vector<1x2048xf32>
    %swap3A = arith.constant 0 : index
    %swap3A_23 = arith.constant 0 : index
    %swap3A_24 = vector.load %arg5[%swap3A, %swap3A_23] : memref<1x2048xf32, #tpu.memory_space<vmem>>, vector<1x2048xf32>
    tpu.vector_store %arg5[%swap3A, %swap3A_23], %logistic3A_22 {strides = array<i32>} : memref<1x2048xf32, #tpu.memory_space<vmem>>, vector<1x2048xf32>,
    return
  }
  func.func @transform_0(%arg0: i32) -> (i32, i32) {
    %c0_i32 = arith.constant 0 : i32
    %c0_i32_0 = arith.constant 0 : i32
    return %c0_i32, %arg0 : i32, i32
  }
  func.func @transform_1(%arg0: i32) -> (i32, i32) {
    %c0_i32 = arith.constant 0 : i32
    %c0_i32_0 = arith.constant 0 : i32
    return %c0_i32, %arg0 : i32, i32
  }
  func.func @transform_2(%arg0: i32) -> (i32, i32) {
    %c0_i32 = arith.constant 0 : i32
    %c0_i32_0 = arith.constant 0 : i32
    %c0_i32_1 = arith.constant 0 : i32
    return %c0_i32, %c0_i32_0 : i32, i32
  }
  func.func @transform_3(%arg0: i32) -> (i32, i32) {
    %c0_i32 = arith.constant 0 : i32
    %c0_i32_0 = arith.constant 0 : i32
    %c0_i32_1 = arith.constant 0 : i32
    return %c0_i32, %c0_i32_0 : i32, i32
  }
  func.func @transform_4(%arg0: i32) -> (i32, i32) {
    %c0_i32 = arith.constant 0 : i32
    %c0_i32_0 = arith.constant 0 : i32
    return %c0_i32, %arg0 : i32, i32
  }
}

</mosaic_0001>

<sc_bundles>
// kernel: kernel.4.cloned.1.call-start
scs
__scs_entry_jumppad:
0x0: {  	(pc) =	sbr.rel $0x88, $3  }
0x1: {  	(tag) =	ssettag $0x0;
	lr =	simm.s32 $0x1  }
0x2: {  	[smem:$0x3F9C] =	sst lr;
	_ =	strace $0xD0000000  }
0x3: {  	_ = 	snop  }
0x4: {  	_ = 	snop  }
0x5: {  	_ = 	snop  }
0x6: {  	_ = 	snop  }
0x7: {  	_ = 	snop  }
__scs_overlays_trampoline_lowered:
0x8: {  	[smem:$0x3FAB] =	sst s0  }
0x9: {  	[smem:$0x3FAC] =	sst s1  }
0xa: {  	[smem:$0x3FAD] =	sst s2  }
0xb: {  	[smem:$0x3FAE] =	sst s3  }
0xc: {  	[smem:$0x3FAF] =	sst s4  }
0xd: {  	[smem:$0x3FB0] =	sst s5  }
0xe: {  	[smem:$0x3FB1] =	sst s6  }
0xf: {  	[smem:$0x3FB2] =	sst s7  }
0x10: {  	[smem:$0x3FB3] =	sst s8  }
0x11: {  	[smem:$0x3FB4] =	sst s9;
	s0 =	simm.s32 @!p0 $0x0  }
0x12: {  	s1 =	sld [smem:$0x3F9A];
	s0 =	simm.s32 @p0 $0x1  }
0x13: {  	[smem:$0x3FB5] =	sst s0;
	s0 =	simm.s32 @!p1 $0x0  }
0x14: {  	s2 =	sld [smem:$0x3F99];
	s0 =	simm.s32 @p1 $0x1  }
0x15: {  	[smem:$0x3FB6] =	sst s0;
	s0 =	simm.s32 @!p2 $0x0  }
0x16: {  	s3 =	sld [smem:$0x3FDB];
	s0 =	simm.s32 @p2 $0x1  }
0x17: {  	s4 =	simm.s32 $0x1BF5;
	[smem:$0x3FB8] =	sst s0  }
0x18: {  	s0 =	sld [smem:$0x3F9B];
	_ =	swait.ge [sflag:s4], $0x0  }
0x19: {  	s7 =	sld [smem:$0x3F9C]  }
0x1a: {  	s8 =	sadd.s32 $0xFFFFE003, lr  }
0x1b: {  	s9 =	sadd.s32 $0xFFFFFEF7, lr;
	s5 =	simm.s32 $0xFFFFFFFF;
	p2 =	slt.u32 s8, $0xFFFFF086  }
0x1c: {  	p1 =	slt.u32 s9, $0xF7A;
	s5 =	simm.s32 @!p2 $0x0  }
0x1d: {  	s5 =	simm.s32 @p1 $0x1;
	p0 =	seq.s32 s7, s2  }
0x1e: {  	s7 =	smul.u32 @!p0 $0xF7A, s2;
	p2 =	seq.s32 @!p0 s5, $0x0  }
0x1f: {  	s9 =	smul.u32 $0xF7A, s1;
	s8 =	simm.s32 @!p0 $0x1BF5;
	p2 =	por !p2, p0  }
0x20: {  	[sflag:s8] =	ssyncset.s32 @!p0 $0xFFFFF086;
	s6 =	sadd.s32 @!p0 s3, s7;
	s7 =	simm.s32 @!p0 $0x108  }
0x21: {  	s3 =	sadd.s32 s3, s9;
	s6 =	sadd.s32 @!p0 $0x88, s6;
	s7 =	simm.s32 @p2 $0x1082  }
0x22: {  	[simem:s7], [sflag:s8] =	dma.local @!p0 [hbm:s6], $0xF7A  }
0x23: {  	s9 =	sor.u32 $0xD0000000, s2;
	s6 =	simm.s32 $0x108;
	_ =	swait.ge @!p0 [sflag:s8], $0x0  }
0x24: {  	s3 =	sadd.s32 $0x88, s3;
	s6 =	simm.s32 @!p1 $0x1082;
	[sflag:s4] =	ssyncset.s32 $0xFFFFF086  }
0x25: {  	[simem:s6], [sflag:s4] =	dma.local [hbm:s3], $0xF7A  }
0x26: {  	[smem:$0x3F9C] =	sst s1;
	(tag) =	ssettag s2;
	_ =	strace s9  }
0x27: {  	s1 =	sld [smem:$0x3FAC]  }
0x28: {  	s2 =	sld [smem:$0x3FAD]  }
0x29: {  	s4 =	sld [smem:$0x3FAF]  }
0x2a: {  	p0 =	seq.s32 s5, $0x0;
	s5 =	sld [smem:$0x3FB0]  }
0x2b: {  	s6 =	sld [smem:$0x3FB1]  }
0x2c: {  	s7 =	sld [smem:$0x3FB2]  }
0x2d: {  	s3 =	simm.s32 $0x108;
	s8 =	sld [smem:$0x3FB3]  }
0x2e: {  	s3 =	simm.s32 @!p0 $0x1082;
	s9 =	sld [smem:$0x3FB4]  }
0x2f: {  	lr =	sadd.s32 s0, s3;
	s0 =	sld [smem:$0x3FAB]  }
0x30: {  	s3 =	sld [smem:$0x3FAE]  }
0x31: {  	[smem:$0x3FB7] =	sst s10  }
0x32: {  	s10 =	sld [smem:$0x3FB5];
	_ =	sdelay $0x3  }
0x33: {  	p0 =	seq.s32 s10, $0x1;
	s10 =	sld [smem:$0x3FB7];
	_ =	sdelay $0x3  }
0x34: {  	[smem:$0x3FB7] =	sst s10  }
0x35: {  	s10 =	sld [smem:$0x3FB6];
	_ =	sdelay $0x3  }
0x36: {  	p1 =	seq.s32 s10, $0x1;
	s10 =	sld [smem:$0x3FB7];
	_ =	sdelay $0x3  }
0x37: {  	[smem:$0x3FB7] =	sst s10  }
0x38: {  	s10 =	sld [smem:$0x3FB8]  }
0x39: {  	_ = 	snop;
	(pc) =	sbr.ind lr, $3  }
0x3a: {  	_ = 	snop  }
0x3b: {  	_ = 	snop  }
0x3c: {  	p2 =	seq.s32 s10, $0x1;
	s10 =	sld [smem:$0x3FB7]  }
0x3d: {  	_ =	shalt  }
0x3e: {  	_ =	shalt  }
0x3f: {  	_ =	shalt  }
0x40: {  	_ =	shalt  }
0x41: {  	_ =	shalt  }
0x42: {  	_ =	shalt  }
0x43: {  	_ =	shalt  }
0x44: {  	_ =	shalt  }
0x45: {  	_ =	shalt  }
0x46: {  	_ =	shalt  }
0x47: {  	_ =	shalt  }
0x48: {  	_ =	shalt  }
0x49: {  	_ =	shalt  }
0x4a: {  	_ =	shalt  }
0x4b: {  	_ =	shalt  }
0x4c: {  	_ =	shalt  }
0x4d: {  	_ =	shalt  }
0x4e: {  	_ =	shalt  }
0x4f: {  	_ =	shalt  }
0x50: {  	_ =	shalt  }
0x51: {  	_ =	shalt  }
0x52: {  	_ =	shalt  }
0x53: {  	_ =	shalt  }
0x54: {  	_ =	shalt  }
0x55: {  	_ =	shalt  }
0x56: {  	_ =	shalt  }
0x57: {  	_ =	shalt  }
0x58: {  	_ =	shalt  }
0x59: {  	_ =	shalt  }
0x5a: {  	_ =	shalt  }
0x5b: {  	_ =	shalt  }
0x5c: {  	_ =	shalt  }
0x5d: {  	_ =	shalt  }
0x5e: {  	_ =	shalt  }
0x5f: {  	_ =	shalt  }
0x60: {  	_ =	shalt  }
0x61: {  	_ =	shalt  }
0x62: {  	_ =	shalt  }
0x63: {  	_ =	shalt  }
0x64: {  	_ =	shalt  }
0x65: {  	_ =	shalt  }
0x66: {  	_ =	shalt  }
0x67: {  	_ =	shalt  }
0x68: {  	_ =	shalt  }
0x69: {  	_ =	shalt  }
0x6a: {  	_ =	shalt  }
0x6b: {  	_ =	shalt  }
0x6c: {  	_ =	shalt  }
0x6d: {  	_ =	shalt  }
0x6e: {  	_ =	shalt  }
0x6f: {  	_ =	shalt  }
0x70: {  	_ =	shalt  }
0x71: {  	_ =	shalt  }
0x72: {  	_ =	shalt  }
0x73: {  	_ =	shalt  }
0x74: {  	_ =	shalt  }
0x75: {  	_ =	shalt  }
0x76: {  	_ =	shalt  }
0x77: {  	_ =	shalt  }
0x78: {  	_ =	shalt  }
0x79: {  	_ =	shalt  }
0x7a: {  	_ =	shalt  }
0x7b: {  	_ =	shalt  }
0x7c: {  	_ =	shalt  }
0x7d: {  	_ =	shalt  }
0x7e: {  	_ =	shalt  }
0x7f: {  	_ =	shalt  }
0x80: {  	_ =	shalt  }
0x81: {  	_ =	shalt  }
0x82: {  	_ =	shalt  }
0x83: {  	_ =	shalt  }
0x84: {  	_ =	shalt  }
0x85: {  	_ =	shalt  }
0x86: {  	_ =	shalt  }
0x87: {  	_ =	shalt  }
.Lfunc_end0:
.L_simem_size_0:
called_computation_lowered:
.L_overlay_start_0:
0x88: {  	s2 =	sld [smem:$0x3FD9]  }
0x89: {  	s3 =	sld [smem:$0x3FFE];
	_ =	sdelay $0x1  }
0x8a: {  	s1 =	srdreg.scid  }
0x8b: {  	s0 =	sand.u32 $0x1, s1  }
0x8c: {  	s17 =	sshll.u32 s0, $0xA;
	s2 =	sadd.s32 s3, s2  }
0x8d: {  	s2 =	sadd.s32 s2, s17  }
0x8e: {  	[smem:$0x3FC3] =	sst s2  }
0x8f: {  	_ = 	snop  }
0x90: {  	s2 =	sld [smem:$0x3FC9]  }
0x91: {  	s18 =	sld [smem:$0x3FC7];
	(tm) =	ssettm $0x1  }
0x92: {  	s4 =	sld [smem:$0x3FFB];
	_ =	sdelay $0x3  }
0x93: {  	_ =	strace s4  }
0x94: {  	s4 =	sld [smem:$0x3FFC];
	_ =	sdelay $0x3  }
0x95: {  	_ =	strace s4  }
0x96: {  	s4 =	sld [smem:$0x3FFD];
	_ =	sdelay $0x3  }
0x97: {  	_ =	strace s4  }
0x98: {  	_ =	strace $0x8FFFFFFF  }
0x99: {  	s19 =	sld [smem:$0x3FDB];
	_ =	sdelay $0x1  }
0x9a: {  	s5 =	simm.s32 $_scs_section_size  }
0x9b: {  	s6 =	simm.s32 $_size__tile_overlayer_lowered;
	s7 =	simm.s32 $_tile_overlayer_lowered  }
0x9c: {  	s22 =	simm.s32 $0x1BFF;
	s21 =	sshll.u32 s7, $0x1;
	s4 =	sadd.s32 s5, s19  }
0x9d: {  	s8 =	simm.s32 $0x0;
	s20 =	sshll.u32 s6, $0x1;
	s6 =	sadd.s32 s21, s4  }
0x9e: {  	[timem:s8], [sflag:s22] =	dma.local [hbm:s6], s20  }
0x9f: {  	_ =	swait.ge [sflag:s22], s20  }
0xa0: {  	s5 =	ssub.s32 $0x0, s20;
	[sflag:s22] =	ssyncset.done $0x0  }
0xa1: {  	[sflag:s22] =	ssyncadd.s32 s5;
	_ =	sdelay $0x1  }
0xa2: {  	s23 =	simm.s32 $0x1B8B  }
0xa3: {  	_ =	swait.ge [sflag:s23], $0x1  }
0xa4: {  	[sflag:s23] =	ssyncset.done $0x0  }
0xa5: {  	s25 =	simm.s32 $0x1B8E;
	s24 =	sld [smem:$0x3FFE];
	[sflag:s23] =	ssyncadd.s32 $0xFFFFFFFF  }
0xa6: {  	s26 =	simm.s32 $execute0_lowered;
	[smem:$0x3FD2] =	sst s25  }
0xa7: {  	s6 =	sshll.u32 s26, $0x1;
	_ =	strace $0x80000046;
	[dreg:$0x1] =	wrdreg $0xFFFFFFFF  }
0xa8: {  	s28 =	simm.s32 $_size_execute0_lowered;
	s4 =	sadd.s32 s4, s6;
	[dreg:$0x0] =	wrdreg $0x0  }
0xa9: {  	s6 =	sshll.u32 s28, $0x1;
	[dreg:$0x2] =	wrdreg s4  }
0xaa: {  	[dreg:$0x3] =	wrdreg s6  }
0xab: {  	[dreg:$0x4] =	wrdreg $0xC0  }
0xac: {  	_ =	task [dreg:s8], $0x5FFFF  }
0xad: {  	[dreg:$0x1] =	wrdreg $0xFFFFFFFF  }
0xae: {  	[dreg:$0x0] =	wrdreg $0x60  }
0xaf: {  	[dreg:$0x2] =	wrdreg s18  }
0xb0: {  	[dreg:$0x3] =	wrdreg s2  }
0xb1: {  	[dreg:$0x4] =	wrdreg s24  }
0xb2: {  	[dreg:$0x5] =	wrdreg $0x9  }
0xb3: {  	_ =	task.clear_ibuf [dreg:s8], $0x6FFFF;
	_ =	strace $0x90000046  }
0xb4: {  	s29 =	simm.s32 $0x9;
	_ =	strace $0x80000048  }
0xb5: {  	_ =	swait.ge [sflag:s29], $0x1  }
0xb6: {  	[sflag:s29] =	ssyncadd.s32 $0xFFFFFFFF  }
0xb7: {  	_ =	strace $0x90000048  }
0xb8: {  	_ =	sfence  }
0xb9: {  	s30 =	sld [smem:$0x0];
	_ =	sdelay $0x2  }
0xba: {  	s31 =	sshll.u32 s1, $0xD;
	s1 =	sshrl.u32 s1, $0x2  }
0xbb: {  	s3 =	sand.u32 $0x4000, s31;
	s1 =	sadd.s32 s1, s30  }
0xbc: {  	s0 =	sor.u32 s3, s0;
	s1 =	sshll.u32 s1, $0x11  }
0xbd: {  	s0 =	sor.u32 s1, s0  }
0xbe: {  	s0 =	sadd.s32 $0x8F2B, s0  }
0xbf: {  	[sflag:s0] =	ssyncadd.remote.s32 $0x1  }
0xc0: {  	_ =	sfence.sel $0xFFFF  }
0xc1: {  	[dreg:$0x0] =	wrdreg $0xFFFFFFFF;
	(pc) =	sbr.abs _section_cstart, $3  }
0xc2: {  	[dreg:$0x1] =	wrdreg $0xFFFFFFFF  }
0xc3: {  	_ =	task.clear_ibuf [dreg:s8], $0x2FFFF;
	_ =	strace $0x9FFFFFFF  }
0xc4: {  	(tm) =	ssettm $0x7FFFFFFF  }
0xc5: {  	_ =	shalt  }
tec
execute0_lowered:
.L_overlay_start_1:
0x0: {  	(tag) =	ssettag $0x1  }
0x1: {  	s1 =	stileid.u32  }
0x2: {  	p0 =	sgt.u32 s1, $0xC  }
.Ltmp0:
0x3: {  	s7 =	rddreg [dreg:$0x0];
	(pc) =	sbr.rel @p0 .LBB2_7-.Ltmp0, $4  }
0x4: {  	s5 =	rddreg [dreg:$0x1]  }
0x5: {  	s3 =	rddreg [dreg:$0x2];
	s2 =	simm.s32 $0x0  }
0x6: {  	[smem:$0x7FF] =	sst s2  }
0x7: {  	s0 =	rddreg [dreg:$0x3];
	_ =	strace $0x80000047  }
0x8: {  	s4 =	srdreg.scid  }
0x9: {  	s6 =	sand.u32 $0x1, s4  }
0xa: {  	s4 =	smul.u32 $0xD, s6;
	_ =	sdelay $0x1  }
0xb: {  	s10 =	sadd.s32 $0xA00, s3;
	s13 =	simm.s32 $0x1A700;
	s4 =	sadd.s32 s1, s4  }
0xc: {  	s14 =	simm.s32 $0x0;
	s8 =	sshll.u32 s4, $0x7;
	s4 =	sshrl.u32 s4, $0x3  }
0xd: {  	s6 =	ssub.s32 $0x2, s6;
	s8 =	sand.u32 $0x380, s8;
	s9 =	sshll.u32 s4, $0x11  }
0xe: {  	s12 =	sshrl.u32 s6, $0x1;
	s11 =	smul.u32 $0xC3800, s4;
	s9 =	sor.u32 s8, s9  }
0xf: {  	s31 =	ssub.s32 s6, s12;
	s12 =	simm.s32 $0x18700;
	s9 =	sshrl.u32 s9, $0x3  }
0x10: {  	s8 =	sor.u32 s8, s11;
	s11 =	simm.s32 $0x1;
	s3 =	sadd.s32 s5, s9  }
0x11: {  	s4 =	sadd.s32 s10, s9;
	s9 =	sor.u32 $0x2000, s9;
	s8 =	sshrl.u32 s8, $0x3  }
0x12: {  	s5 =	sadd.s32 s5, s9;
	s6 =	sadd.s32 s10, s9;
	s7 =	sadd.s32 s7, s8  }
0x13: {  	s8 =	smax.u32 s31, $0x1;
	s9 =	simm.s32 $0x80;
	s10 =	simm.s32 $0x400  }
.LBB2_2:
0x14: {  	s15 =	simm.s32 $0x0  }
0x15: {  	[tilespmem:s15], [sflag:$0x1] =	stream.strided.gather [hbm4b:s7+s9], $0x18700, s10, s9, $0x38;
	[tilespmem:$0x1C700] =	vst v63  }
0x16: {  	_ =	swait.ge [sflag:s11], $0x18700  }
0x17: {  	[sflag:s11] =	ssyncset.done $0x0  }
0x18: {  	[sflag:s11] =	ssyncadd.s32 $0xFFFE7900  }
0x19: {  	[tilespmem:s12], [sflag:$0x1] =	stream.strided.gather [hbm4b:s3+s9], $0x2000, s10, s9, $0x38;
	[tilespmem:$0x1C700] =	vst v63  }
0x1a: {  	_ =	swait.ge [sflag:s11], $0x2000  }
0x1b: {  	[sflag:s11] =	ssyncset.done $0x0  }
0x1c: {  	s15 =	simm.s32 $0x0;
	[sflag:s11] =	ssyncadd.s32 $0xFFFFE000  }
0x1d: {  	v0 =	vld [tilespmem:s15+$0x18700];
	_ =	sdelay $0x5  }
0x1e: {  	v1 =	vld [tilespmem:s15+$0x18710];
	_ =	sdelay $0x1  }
0x1f: {  	v0 =	vld.idx.msk [tilespmem:v0+s2+$0x0], $0xffff;
	_ =	sdelay $0x4  }
0x20: {  	[tilespmem:s15+$0x1A700] =	vst v0;
	v0 =	vld [tilespmem:s15+$0x18720]  }
0x21: {  	v1 =	vld.idx.msk [tilespmem:v1+s2+$0x0], $0xffff;
	_ =	sdelay $0x4  }
0x22: {  	[tilespmem:s15+$0x1A710] =	vst v1;
	v1 =	vld [tilespmem:s15+$0x18730];
	_ =	sdelay $0x1  }
0x23: {  	v0 =	vld.idx.msk [tilespmem:v0+s2+$0x0], $0xffff;
	_ =	sdelay $0x4  }
0x24: {  	[tilespmem:s15+$0x1A720] =	vst v0;
	v0 =	vld [tilespmem:s15+$0x18740]  }
0x25: {  	v1 =	vld.idx.msk [tilespmem:v1+s2+$0x0], $0xffff;
	_ =	sdelay $0x4  }
0x26: {  	[tilespmem:s15+$0x1A730] =	vst v1;
	v1 =	vld [tilespmem:s15+$0x18750];
	_ =	sdelay $0x1  }
0x27: {  	v0 =	vld.idx.msk [tilespmem:v0+s2+$0x0], $0xffff;
	_ =	sdelay $0x4  }
0x28: {  	v2 =	vld [tilespmem:s15+$0x18760];
	[tilespmem:s15+$0x1A740] =	vst v0  }
0x29: {  	v0 =	vld.idx.msk [tilespmem:v1+s2+$0x0], $0xffff;
	_ =	sdelay $0x4  }
0x2a: {  	[tilespmem:s15+$0x1A750] =	vst v0;
	v0 =	vld [tilespmem:s15+$0x18770];
	_ =	sdelay $0x1  }
0x2b: {  	v1 =	vld.idx.msk [tilespmem:v2+s2+$0x0], $0xffff;
	_ =	sdelay $0x3  }
0x2c: {  	s17 =	simm.s32 $0x80;
	s16 =	simm.s32 $0x400  }
.LBB2_3:
0x2d: {  	p0 =	sne.s32 s16, $0x7E00;
	v2 =	vld [tilespmem:s17+$0x18700];
	[tilespmem:s15+$0x1A760] =	vst v1  }
0x2e: {  	v0 =	vld.idx.msk [tilespmem:v0+s2+$0x0], $0xffff;
	_ =	sdelay $0x5  }
0x2f: {  	v1 =	vld [tilespmem:s17+$0x18710];
	[tilespmem:s15+$0x1A770] =	vst v0;
	s15 =	smov.u32 s17  }
0x30: {  	v0 =	vld.idx.msk [tilespmem:v2+s2+$0x0], $0xffff;
	_ =	sdelay $0x5  }
0x31: {  	[tilespmem:s15+$0x1A700] =	vst v0;
	v0 =	vld [tilespmem:s15+$0x18720]  }
0x32: {  	v1 =	vld.idx.msk [tilespmem:v1+s2+$0x0], $0xffff;
	_ =	sdelay $0x5  }
0x33: {  	[tilespmem:s15+$0x1A710] =	vst v1;
	v1 =	vld [tilespmem:s15+$0x18730]  }
0x34: {  	v0 =	vld.idx.msk [tilespmem:v0+s2+$0x0], $0xffff;
	_ =	sdelay $0x5  }
0x35: {  	[tilespmem:s15+$0x1A720] =	vst v0;
	v0 =	vld [tilespmem:s15+$0x18740]  }
0x36: {  	v1 =	vld.idx.msk [tilespmem:v1+s2+$0x0], $0xffff;
	_ =	sdelay $0x5  }
0x37: {  	[tilespmem:s15+$0x1A730] =	vst v1;
	v1 =	vld [tilespmem:s15+$0x18750]  }
0x38: {  	v0 =	vld.idx.msk [tilespmem:v0+s2+$0x0], $0xffff;
	_ =	sdelay $0x5  }
0x39: {  	[tilespmem:s15+$0x1A740] =	vst v0;
	v2 =	vld [tilespmem:s15+$0x18760]  }
0x3a: {  	v0 =	vld.idx.msk [tilespmem:v1+s2+$0x0], $0xffff;
	_ =	sdelay $0x5  }
0x3b: {  	[tilespmem:s15+$0x1A750] =	vst v0;
	v0 =	vld [tilespmem:s15+$0x18770]  }
0x3c: {  	v1 =	vld.idx.msk [tilespmem:v2+s2+$0x0], $0xffff  }
.Ltmp1:
0x3d: {  	(pc) =	sbr.rel @p0 .LBB2_3-.Ltmp1, $2  }
0x3e: {  	_ =	sdelay $0x2  }
0x3f: {  	s17 =	sshra.s32 s16, $0x2;
	s16 =	sadd.s32 $0x200, s16  }
0x40: {  	_ =	sdelay $0x1  }
0x41: {  	v2 =	vld [tilespmem:s17+$0x18700]  }
0x42: {  	[tilespmem:s15+$0x1A760] =	vst v1  }
0x43: {  	v0 =	vld.idx.msk [tilespmem:v0+s2+$0x0], $0xffff;
	_ =	sdelay $0x3  }
0x44: {  	v1 =	vld [tilespmem:s17+$0x18710]  }
0x45: {  	[tilespmem:s15+$0x1A770] =	vst v0  }
0x46: {  	v0 =	vld.idx.msk [tilespmem:v2+s2+$0x0], $0xffff;
	_ =	sdelay $0x4  }
0x47: {  	[tilespmem:s17+$0x1A700] =	vst v0;
	v0 =	vld [tilespmem:s17+$0x18720]  }
0x48: {  	v1 =	vld.idx.msk [tilespmem:v1+s2+$0x0], $0xffff;
	_ =	sdelay $0x4  }
0x49: {  	[tilespmem:s17+$0x1A710] =	vst v1;
	v1 =	vld [tilespmem:s17+$0x18730];
	_ =	sdelay $0x1  }
0x4a: {  	v0 =	vld.idx.msk [tilespmem:v0+s2+$0x0], $0xffff;
	_ =	sdelay $0x4  }
0x4b: {  	[tilespmem:s17+$0x1A720] =	vst v0;
	v0 =	vld [tilespmem:s17+$0x18740]  }
0x4c: {  	v1 =	vld.idx.msk [tilespmem:v1+s2+$0x0], $0xffff;
	_ =	sdelay $0x4  }
0x4d: {  	[tilespmem:s17+$0x1A730] =	vst v1;
	v1 =	vld [tilespmem:s17+$0x18750];
	_ =	sdelay $0x1  }
0x4e: {  	v0 =	vld.idx.msk [tilespmem:v0+s2+$0x0], $0xffff;
	_ =	sdelay $0x4  }
0x4f: {  	[tilespmem:s17+$0x1A740] =	vst v0;
	v0 =	vld [tilespmem:s17+$0x18760]  }
0x50: {  	v1 =	vld.idx.msk [tilespmem:v1+s2+$0x0], $0xffff;
	_ =	sdelay $0x4  }
0x51: {  	[tilespmem:s17+$0x1A750] =	vst v1;
	v1 =	vld [tilespmem:s17+$0x18770];
	_ =	sdelay $0x1  }
0x52: {  	v0 =	vld.idx.msk [tilespmem:v0+s2+$0x0], $0xffff;
	_ =	sdelay $0x4  }
0x53: {  	[tilespmem:s17+$0x1A760] =	vst v0  }
0x54: {  	v0 =	vld.idx.msk [tilespmem:v1+s2+$0x0], $0xffff;
	_ =	sdelay $0x4  }
0x55: {  	[tilespmem:s17+$0x1A770] =	vst v0  }
0x56: {  	[hbm4b:s4+s9] =	stream.strided.scatter [tilespmem:s13], [sflag:$0x1], $0x2000, s10, s9, $0x38;
	[tilespmem:$0x1C700] =	vst v63  }
0x57: {  	_ =	swait.ge [sflag:s11], $0x2000  }
0x58: {  	[sflag:s11] =	ssyncset.done $0x0  }
0x59: {  	[sflag:s11] =	ssyncadd.s32 $0xFFFFE000  }
0x5a: {  	[tilespmem:s12], [sflag:$0x1] =	stream.strided.gather [hbm4b:s5+s9], $0x2000, s10, s9, $0x38;
	[tilespmem:$0x1C700] =	vst v63  }
0x5b: {  	_ =	swait.ge [sflag:s11], $0x2000  }
0x5c: {  	[sflag:s11] =	ssyncset.done $0x0  }
0x5d: {  	s15 =	simm.s32 $0x0;
	[sflag:s11] =	ssyncadd.s32 $0xFFFFE000  }
0x5e: {  	v0 =	vld [tilespmem:s15+$0x18700];
	_ =	sdelay $0x5  }
0x5f: {  	v1 =	vld [tilespmem:s15+$0x18710];
	_ =	sdelay $0x1  }
0x60: {  	v0 =	vld.idx.msk [tilespmem:v0+s2+$0x0], $0xffff;
	_ =	sdelay $0x4  }
0x61: {  	[tilespmem:s15+$0x1A700] =	vst v0;
	v0 =	vld [tilespmem:s15+$0x18720]  }
0x62: {  	v1 =	vld.idx.msk [tilespmem:v1+s2+$0x0], $0xffff;
	_ =	sdelay $0x4  }
0x63: {  	[tilespmem:s15+$0x1A710] =	vst v1;
	v1 =	vld [tilespmem:s15+$0x18730];
	_ =	sdelay $0x1  }
0x64: {  	v0 =	vld.idx.msk [tilespmem:v0+s2+$0x0], $0xffff;
	_ =	sdelay $0x4  }
0x65: {  	[tilespmem:s15+$0x1A720] =	vst v0;
	v0 =	vld [tilespmem:s15+$0x18740]  }
0x66: {  	v1 =	vld.idx.msk [tilespmem:v1+s2+$0x0], $0xffff;
	_ =	sdelay $0x4  }
0x67: {  	[tilespmem:s15+$0x1A730] =	vst v1;
	v1 =	vld [tilespmem:s15+$0x18750];
	_ =	sdelay $0x1  }
0x68: {  	v0 =	vld.idx.msk [tilespmem:v0+s2+$0x0], $0xffff;
	_ =	sdelay $0x4  }
0x69: {  	v2 =	vld [tilespmem:s15+$0x18760];
	[tilespmem:s15+$0x1A740] =	vst v0  }
0x6a: {  	v0 =	vld.idx.msk [tilespmem:v1+s2+$0x0], $0xffff;
	_ =	sdelay $0x4  }
0x6b: {  	[tilespmem:s15+$0x1A750] =	vst v0;
	v0 =	vld [tilespmem:s15+$0x18770];
	_ =	sdelay $0x1  }
0x6c: {  	v1 =	vld.idx.msk [tilespmem:v2+s2+$0x0], $0xffff;
	_ =	sdelay $0x3  }
0x6d: {  	s16 =	simm.s32 $0x400;
	s17 =	simm.s32 $0x80  }
.LBB2_5:
0x6e: {  	p0 =	sne.s32 s16, $0x7E00;
	v2 =	vld [tilespmem:s17+$0x18700];
	[tilespmem:s15+$0x1A760] =	vst v1  }
0x6f: {  	v0 =	vld.idx.msk [tilespmem:v0+s2+$0x0], $0xffff;
	_ =	sdelay $0x5  }
0x70: {  	v1 =	vld [tilespmem:s17+$0x18710];
	[tilespmem:s15+$0x1A770] =	vst v0;
	s15 =	smov.u32 s17  }
0x71: {  	v0 =	vld.idx.msk [tilespmem:v2+s2+$0x0], $0xffff;
	_ =	sdelay $0x5  }
0x72: {  	[tilespmem:s15+$0x1A700] =	vst v0;
	v0 =	vld [tilespmem:s15+$0x18720]  }
0x73: {  	v1 =	vld.idx.msk [tilespmem:v1+s2+$0x0], $0xffff;
	_ =	sdelay $0x5  }
0x74: {  	[tilespmem:s15+$0x1A710] =	vst v1;
	v1 =	vld [tilespmem:s15+$0x18730]  }
0x75: {  	v0 =	vld.idx.msk [tilespmem:v0+s2+$0x0], $0xffff;
	_ =	sdelay $0x5  }
0x76: {  	[tilespmem:s15+$0x1A720] =	vst v0;
	v0 =	vld [tilespmem:s15+$0x18740]  }
0x77: {  	v1 =	vld.idx.msk [tilespmem:v1+s2+$0x0], $0xffff;
	_ =	sdelay $0x5  }
0x78: {  	[tilespmem:s15+$0x1A730] =	vst v1;
	v1 =	vld [tilespmem:s15+$0x18750]  }
0x79: {  	v0 =	vld.idx.msk [tilespmem:v0+s2+$0x0], $0xffff;
	_ =	sdelay $0x5  }
0x7a: {  	[tilespmem:s15+$0x1A740] =	vst v0;
	v2 =	vld [tilespmem:s15+$0x18760]  }
0x7b: {  	v0 =	vld.idx.msk [tilespmem:v1+s2+$0x0], $0xffff;
	_ =	sdelay $0x5  }
0x7c: {  	[tilespmem:s15+$0x1A750] =	vst v0;
	v0 =	vld [tilespmem:s15+$0x18770]  }
0x7d: {  	v1 =	vld.idx.msk [tilespmem:v2+s2+$0x0], $0xffff  }
.Ltmp2:
0x7e: {  	(pc) =	sbr.rel @p0 .LBB2_5-.Ltmp2, $2  }
0x7f: {  	_ =	sdelay $0x2  }
0x80: {  	s17 =	sshra.s32 s16, $0x2;
	s16 =	sadd.s32 $0x200, s16  }
0x81: {  	_ =	sdelay $0x1  }
0x82: {  	v2 =	vld [tilespmem:s17+$0x18700]  }
0x83: {  	[tilespmem:s15+$0x1A760] =	vst v1  }
0x84: {  	v0 =	vld.idx.msk [tilespmem:v0+s2+$0x0], $0xffff;
	_ =	sdelay $0x3  }
0x85: {  	v1 =	vld [tilespmem:s17+$0x18710]  }
0x86: {  	[tilespmem:s15+$0x1A770] =	vst v0  }
0x87: {  	v0 =	vld.idx.msk [tilespmem:v2+s2+$0x0], $0xffff;
	_ =	sdelay $0x3  }
0x88: {  	v58 =	vld [tilespmem:s17+$0x18720]  }
0x89: {  	[tilespmem:s17+$0x1A700] =	vst v0  }
0x8a: {  	v1 =	vld.idx.msk [tilespmem:v1+s2+$0x0], $0xffff;
	_ =	sdelay $0x3  }
0x8b: {  	v59 =	vld [tilespmem:s17+$0x18730]  }
0x8c: {  	[tilespmem:s17+$0x1A710] =	vst v1  }
0x8d: {  	v0 =	vld.idx.msk [tilespmem:v58+s2+$0x0], $0xffff;
	_ =	sdelay $0x3  }
0x8e: {  	v60 =	vld [tilespmem:s17+$0x18740]  }
0x8f: {  	[tilespmem:s17+$0x1A720] =	vst v0  }
0x90: {  	v1 =	vld.idx.msk [tilespmem:v59+s2+$0x0], $0xffff;
	_ =	sdelay $0x3  }
0x91: {  	v61 =	vld [tilespmem:s17+$0x18750]  }
0x92: {  	[tilespmem:s17+$0x1A730] =	vst v1  }
0x93: {  	v0 =	vld.idx.msk [tilespmem:v60+s2+$0x0], $0xffff;
	_ =	sdelay $0x3  }
0x94: {  	v62 =	vld [tilespmem:s17+$0x18760]  }
0x95: {  	[tilespmem:s17+$0x1A740] =	vst v0  }
0x96: {  	v1 =	vld.idx.msk [tilespmem:v61+s2+$0x0], $0xffff;
	_ =	sdelay $0x3  }
0x97: {  	v63 =	vld [tilespmem:s17+$0x18770]  }
0x98: {  	[tilespmem:s17+$0x1A750] =	vst v1  }
0x99: {  	v0 =	vld.idx.msk [tilespmem:v62+s2+$0x0], $0xffff;
	_ =	sdelay $0x4  }
0x9a: {  	[tilespmem:s17+$0x1A760] =	vst v0  }
0x9b: {  	v0 =	vld.idx.msk [tilespmem:v63+s2+$0x0], $0xffff;
	_ =	sdelay $0x2  }
0x9c: {  	s14 =	sadd.s32 $0x1, s14  }
0x9d: {  	p0 =	sne.s32 s14, s8  }
.Ltmp3:
0x9e: {  	[tilespmem:s17+$0x1A770] =	vst v0;
	(pc) =	sbr.rel @p0 .LBB2_2-.Ltmp3, $4  }
0x9f: {  	[hbm4b:s6+s9] =	stream.strided.scatter [tilespmem:s13], [sflag:$0x1], $0x2000, s10, s9, $0x38;
	[tilespmem:$0x1C700] =	vst v63  }
0xa0: {  	_ =	swait.ge [sflag:s11], $0x2000  }
0xa1: {  	[sflag:s11] =	ssyncset.done $0x0  }
0xa2: {  	[sflag:s11] =	ssyncadd.s32 $0xFFFFE000  }
.LBB2_7:
0xa3: {  	_ =	sfence.sel $0x180000  }
0xa4: {  	[bflag:$0x0] =	sbarrier.arrive $0xFFFF  }
0xa5: {  	p0 =	sne.s32 s1, $0x0;
	_ =	strace $0x90000047  }
0xa6: {  	s0 =	sadd.s32 @!p0 $0x100000, s0;
	[bflag:$0x2] =	sbarrier.arrive $0xFFFF  }
0xa7: {  	[sflag:s0] =	ssyncadd.tile.s32 @!p0 $0x1;
	_ =	shalt  }
.Lfunc_end2:
_tile_overlayer_lowered:
.L_overlay_start_2:
0xa8: {  	(tag) =	ssettag $0x2  }
0xa9: {  	s0 =	rddreg [dreg:$0x0];
	s2 =	stileid.u32  }
0xaa: {  	s1 =	rddreg [dreg:$0x1];
	p0 =	sne.s32 s2, $0x0  }
0xab: {  	s3 =	rddreg [dreg:$0x2];
	[bflag:$0x3] =	sbarrier.arrive $0xFFFF;
	s2 =	simm.s32 @!p0 $0x1C01  }
0xac: {  	[timem:s3], [sflag:s2] =	dma.local @!p0 [hbm:s0], s1  }
0xad: {  	s0 =	simm.s32 @!p0 $0x1  }
0xae: {  	_ =	swait.ge @!p0 [sflag:s0], s1  }
0xaf: {  	s1 =	ssub.s32 @!p0 $0x0, s1;
	[sflag:s0] =	ssyncset.done @!p0 $0x0  }
0xb0: {  	[sflag:s0] =	ssyncadd.s32 @!p0 s1  }
0xb1: {  	[bflag:$0x3] =	sbarrier.arrive $0xFFFF  }
0xb2: {  	_ =	shalt  }

</sc_bundles>
